<compile_context>
chip_gen: v7x
topology: tpu7x:2x2x1
jax: 0.10.2.dev20260603
libtpu: 0.0.44.dev20260713+nightly
codegen_flags: <defaults>
</compile_context>

<pallas_src>
import functools

import jax
import jax.numpy as jnp
from jax import lax
from jax.experimental import pallas as pl
from jax.experimental.pallas import tpu as pltpu
from jax.experimental.pallas import tpu_sc as plsc

B = 1024
D = 128
K = 32768
TEMP_INV = 1.0 / 0.07
BK = 2048
G = K // BK


def _row_normalize(x):
    ss = jnp.sum(x * x, axis=1, keepdims=True)
    return x * lax.rsqrt(jnp.maximum(ss, 1e-24))


def _sim_argmax_body(pr0_ref, pr1_ref, queue_ref, qid_ref, ids_ref,
                     idx_ref, qt_ref,
                     prn0_ref, prn1_ref, av0_ref, av1_ref,
                     rmax0_ref, rblk0_ref, rmax1_ref, rblk1_ref, ids2_ref):
    j = pl.program_id(0)

    @pl.when(j == 0)
    def _init():
        prn0_ref[...] = _row_normalize(pr0_ref[...])
        prn1_ref[...] = _row_normalize(pr1_ref[...])
        av0_ref[...] = jnp.full((B, BK), -jnp.inf, jnp.float32)
        av1_ref[...] = jnp.full((B, BK), -jnp.inf, jnp.float32)
        rmax0_ref[...] = jnp.full((B, 1), -jnp.inf, jnp.float32)
        rmax1_ref[...] = jnp.full((B, 1), -jnp.inf, jnp.float32)
        rblk0_ref[...] = jnp.zeros((B, 1), jnp.float32)
        rblk1_ref[...] = jnp.zeros((B, 1), jnp.float32)
        ids2_ref[...] = ids_ref[...].reshape(B, 1)

    qblk = queue_ref[...]
    qid = qid_ref[pl.ds(j * BK, BK)].reshape(1, BK)
    own = qid == ids2_ref[...]
    jf = jnp.float32(1.0) * j

    r = lax.broadcasted_iota(jnp.int32, (D, D), 0)
    c = lax.broadcasted_iota(jnp.int32, (D, D), 1)
    eye = jnp.where(r == c, 1.0, 0.0).astype(jnp.float32)
    qt_ref[...] = lax.dot_general(qblk, eye, (((0,), (0,)), ((), ())),
                                  preferred_element_type=jnp.float32)

    def one_view(prn_ref, av_ref, rmax_ref, rblk_ref):
        sim = lax.dot_general(prn_ref[...], qblk, (((1,), (0,)), ((), ())),
                              preferred_element_type=jnp.float32)
        sim = jnp.where(own, -1.0, sim)
        av_ref[...] = jnp.maximum(av_ref[...], sim)
        bmaxj = jnp.max(sim, axis=1, keepdims=True)
        better = bmaxj > rmax_ref[...]
        rmax_ref[...] = jnp.where(better, bmaxj, rmax_ref[...])
        rblk_ref[...] = jnp.where(better, jf, rblk_ref[...])

    one_view(prn0_ref, av0_ref, rmax0_ref, rblk0_ref)
    one_view(prn1_ref, av1_ref, rmax1_ref, rblk1_ref)

    @pl.when(j == G - 1)
    def _fin():
        colf = lax.broadcasted_iota(jnp.int32, (B, BK), 1).astype(jnp.float32)

        def extract(av_ref, rmax_ref, rblk_ref):
            cand = jnp.where(av_ref[...] == rmax_ref[...], colf,
                             jnp.float32(1e9))
            lmin = jnp.min(cand, axis=1, keepdims=True)
            return (rblk_ref[...] * float(BK) + lmin).astype(jnp.int32)

        idx_ref[pl.ds(0, B)] = extract(av0_ref, rmax0_ref, rblk0_ref).reshape(B)
        idx_ref[pl.ds(B, B)] = extract(av1_ref, rmax1_ref, rblk1_ref).reshape(B)


def _sim_argmax(pr0, pr1, queue, qid2, ids2):
    return pl.pallas_call(
        _sim_argmax_body,
        grid=(G,),
        in_specs=[
            pl.BlockSpec((B, D), lambda j: (0, 0)),
            pl.BlockSpec((B, D), lambda j: (0, 0)),
            pl.BlockSpec((D, BK), lambda j: (0, j)),
            pl.BlockSpec((K,), lambda j: (0,)),
            pl.BlockSpec((B,), lambda j: (0,)),
        ],
        out_specs=[
            pl.BlockSpec((2 * B,), lambda j: (0,)),
            pl.BlockSpec((BK, D), lambda j: (j, 0)),
        ],
        out_shape=[
            jax.ShapeDtypeStruct((2 * B,), jnp.int32),
            jax.ShapeDtypeStruct((K, D), jnp.float32),
        ],
        scratch_shapes=[
            pltpu.VMEM((B, D), jnp.float32),
            pltpu.VMEM((B, D), jnp.float32),
            pltpu.VMEM((B, BK), jnp.float32),
            pltpu.VMEM((B, BK), jnp.float32),
            pltpu.VMEM((B, 1), jnp.float32),
            pltpu.VMEM((B, 1), jnp.float32),
            pltpu.VMEM((B, 1), jnp.float32),
            pltpu.VMEM((B, 1), jnp.float32),
            pltpu.VMEM((B, 1), jnp.int32),
        ],
    )(pr0, pr1, queue, qid2, ids2)


@functools.lru_cache(maxsize=None)
def _make_sc_gather(nrows):
    info = plsc.get_sparse_core_info()
    nc, ns = info.num_cores, info.num_subcores
    nw = nc * ns
    per_w = nrows // nw
    mesh = plsc.VectorSubcoreMesh(core_axis_name="c", subcore_axis_name="s")

    @functools.partial(
        pl.kernel,
        out_type=jax.ShapeDtypeStruct((nrows, D), jnp.float32),
        mesh=mesh,
        scratch_types=[
            pltpu.VMEM((per_w,), jnp.int32),
            pltpu.VMEM((per_w, D), jnp.float32),
            pltpu.SemaphoreType.DMA,
        ],
    )
    def gather(table_hbm, idx_hbm, out_hbm, idx_v, rows_v, sem):
        wid = lax.axis_index("s") * nc + lax.axis_index("c")
        base = wid * per_w
        pltpu.sync_copy(idx_hbm.at[pl.ds(base, per_w)], idx_v)
        pltpu.async_copy(table_hbm.at[idx_v], rows_v, sem).wait()
        pltpu.sync_copy(rows_v, out_hbm.at[pl.ds(base, per_w)])

    return gather


def _loss_body(p0_ref, p1_ref, nn_ref, out_ref):
    p0n = _row_normalize(p0_ref[...])
    p1n = _row_normalize(p1_ref[...])
    r = lax.broadcasted_iota(jnp.int32, (B, B), 0)
    c = lax.broadcasted_iota(jnp.int32, (B, B), 1)

    def one_loss(nn, pn):
        logits = lax.dot_general(nn, pn, (((1,), (1,)), ((), ())),
                                 preferred_element_type=jnp.float32)
        logits = logits * TEMP_INV
        m = jnp.max(logits, axis=1, keepdims=True)
        lse = m + jnp.log(jnp.sum(jnp.exp(logits - m), axis=1, keepdims=True))
        diag = jnp.sum(jnp.where(r == c, logits, 0.0), axis=1, keepdims=True)
        return jnp.mean(lse - diag)

    out_ref[0, 0] = 0.5 * (one_loss(nn_ref[B:2 * B, :], p0n)
                           + one_loss(nn_ref[0:B, :], p1n))


def _loss(p0, p1, nn):
    return pl.pallas_call(
        _loss_body,
        out_specs=pl.BlockSpec(memory_space=pltpu.SMEM),
        out_shape=jax.ShapeDtypeStruct((1, 1), jnp.float32),
    )(p0, p1, nn)


def kernel(predict0, predict1, project0, project1, queue, queue_id, ids):
    idx, qt = _sim_argmax(project0, project1, queue, queue_id, ids)
    nn = _make_sc_gather(2 * B)(qt, idx)
    loss = _loss(predict0, predict1, nn)
    return loss[0, 0]

# --- scband reference (transcript-rebuilt; emitter-appended) ---
"""Pipeline reference for scband-skeleton-nnclr-31327491457412 (READ-ONLY COPY).

The authoritative reference and input builder live on the scoring server;
editing this copy changes nothing except your own understanding.
"""

import jax, jax.numpy as jnp
import numpy as np

BATCH = 1024
FEATURE_DIM = 128
QUEUE_SIZE = 32768
ID_MAX = 100000
TEMPERATURE = 0.07
TOPK = 0


def _normalize(x, axis):
    return x / jnp.maximum(jnp.linalg.norm(x, axis=axis, keepdims=True), 1e-12)


def _find_nn(projected_feature, queue, queue_id, ids):
    # similarity matrix [B, K]
    similarity_matrix = projected_feature @ queue
    is_own_id = queue_id[None, :] == ids[:, None]
    similarity_matrix = jnp.where(is_own_id, -1.0, similarity_matrix)
    # topk == 0 branch: plain argmax over queue dim
    idx = jnp.argmax(similarity_matrix, axis=1)
    nearest_neighbor = queue[:, idx]  # [d, B]
    return nearest_neighbor


def _nnclr_loss(predicted, nn_feat, temperature):
    # single-rank: all_gather_grad is identity, rank = 0
    logits = (nn_feat.T @ predicted.T) / temperature  # [B, B]
    n = nn_feat.shape[1]
    labels = jnp.arange(n)
    logp = jax.nn.log_softmax(logits, axis=1)
    loss = -jnp.mean(logp[jnp.arange(n), labels])
    return loss


def setup_inputs(seed: int = 0) -> dict:
    key = jax.random.key(seed)
    ks = jax.random.split(key, 7)
    predict0 = jax.random.normal(ks[0], (BATCH, FEATURE_DIM), dtype=jnp.float32)
    predict1 = jax.random.normal(ks[1], (BATCH, FEATURE_DIM), dtype=jnp.float32)
    project0 = jax.random.normal(ks[2], (BATCH, FEATURE_DIM), dtype=jnp.float32)
    project1 = jax.random.normal(ks[3], (BATCH, FEATURE_DIM), dtype=jnp.float32)
    queue = jax.random.normal(ks[4], (FEATURE_DIM, QUEUE_SIZE), dtype=jnp.float32)
    queue = _normalize(queue, axis=0)  # module normalizes queue along dim=0 at init
    queue_id = jax.random.randint(ks[5], (QUEUE_SIZE,), 0, ID_MAX, dtype=jnp.int64 if jax.config.jax_enable_x64 else jnp.int32).astype(jnp.int32)
    ids = jax.random.randint(ks[6], (BATCH,), 0, ID_MAX, dtype=jnp.int64 if jax.config.jax_enable_x64 else jnp.int32).astype(jnp.int32)
    return {
        "predict0": predict0,
        "predict1": predict1,
        "project0": project0,
        "project1": project1,
        "queue": queue,
        "queue_id": queue_id,
        "ids": ids,
    }


def reference(predict0, predict1, project0, project1, queue, queue_id, ids):
    # forward_encoder outputs are L2-normalized (encoder itself treated as precomputed
    # features; single-rank so DDP shuffle/unshuffle are identities)
    p0 = _normalize(predict0, axis=1)
    p1 = _normalize(predict1, axis=1)
    pr0 = _normalize(project0, axis=1)
    pr1 = _normalize(project1, axis=1)
    nn0 = _find_nn(pr0, queue, queue_id, ids)
    nn1 = _find_nn(pr1, queue, queue_id, ids)
    loss0 = _nnclr_loss(p0, nn1, TEMPERATURE)
    loss1 = _nnclr_loss(p1, nn0, TEMPERATURE)
    loss = (loss0 + loss1) / 2.0
    return loss

if __name__ == "__main__":
    import jax
    _d = setup_inputs()
    print(jax.jit(kernel)(*tuple(_d.values())))

</pallas_src>

<mosaic_0001>
#map = affine_map<(d0, d1) -> (0, 0)>
#map1 = affine_map<(d0, d1) -> (0)>
module attributes {stable_mosaic.version = 14 : i64} {
  func.func @gather(%arg0: i32, %arg1: i32, %arg2: memref<32768x128xf32, #tpu.memory_space<hbm>>, %arg3: memref<2048xi32, #tpu.memory_space<hbm>>, %arg4: memref<2048x128xf32, #tpu.memory_space<hbm>>, %arg5: memref<64xi32, #tpu.memory_space<vmem>>, %arg6: memref<64x128xf32, #tpu.memory_space<vmem>>, %arg7: memref<!tpu.dma_semaphore, #tpu.memory_space<semaphore_mem>>) attributes {dimension_semantics = [#tpu.dimension_semantics<core_parallel>, #tpu.dimension_semantics<subcore_parallel>], iteration_bounds = array<i64: 2, 16>, scalar_prefetch = 0 : i64, scratch_operands = 3 : i64, tpu.core_type = #tpu.core_type<sc_vector_subcore>, window_params = [{transform_indices = #map}, {transform_indices = #map1}, {transform_indices = #map}]} {
    %mul3A = arith.constant 2 : i32
    %mul3A_0 = arith.muli %arg1, %mul3A : i32
    %add3A = arith.addi %mul3A_0, %arg0 : i32
    %mul3A_1 = arith.constant 64 : i32
    %mul3A_2 = arith.muli %add3A, %mul3A_1 : i32
    "tpu.region"() ({
      %run_scoped3A = tpu.sem_alloc : memref<!tpu.dma_semaphore, #tpu.memory_space<semaphore_mem>>
      %dma_start3A_7 = tpu.memref_slice %arg3[%mul3A_2] : memref<2048xi32, #tpu.memory_space<hbm>> -> memref<64xi32, #tpu.memory_space<hbm>>
      %dma_start3A_8 = tpu.memref_slice %arg3[%mul3A_2] : memref<2048xi32, #tpu.memory_space<hbm>> -> memref<64xi32, #tpu.memory_space<hbm>>
      tpu.enqueue_dma source(%dma_start3A_8 : memref<64xi32, #tpu.memory_space<hbm>>) target(%arg5 : memref<64xi32, #tpu.memory_space<vmem>>) target_semaphore(%run_scoped3A : memref<!tpu.dma_semaphore, #tpu.memory_space<semaphore_mem>>)
      %dma_wait3A_9 = tpu.memref_slice %arg3[%mul3A_2] : memref<2048xi32, #tpu.memory_space<hbm>> -> memref<64xi32, #tpu.memory_space<hbm>>
      %dma_wait3A_10 = tpu.memref_slice %arg3[%mul3A_2] : memref<2048xi32, #tpu.memory_space<hbm>> -> memref<64xi32, #tpu.memory_space<hbm>>
      tpu.wait_dma2 semaphore(%run_scoped3A : memref<!tpu.dma_semaphore, #tpu.memory_space<semaphore_mem>>) src(%dma_wait3A_10 : memref<64xi32, #tpu.memory_space<hbm>>) dst(%arg5 : memref<64xi32, #tpu.memory_space<vmem>>)
      tpu.yield
    }) : () -> ()
    %dma_start3A = arith.constant 0 : i32
    %dma_start3A_3 = arith.constant 0 : i32
    %dma_start3A_4 = tpu.memref_slice %arg2[%dma_start3A, %dma_start3A_3] : memref<32768x128xf32, #tpu.memory_space<hbm>> -> memref<32768x128xf32, #tpu.memory_space<hbm>>
    tpu.enqueue_indirect_dma source(%dma_start3A_4 : memref<32768x128xf32, #tpu.memory_space<hbm>>) target(%arg6 : memref<64x128xf32, #tpu.memory_space<vmem>>) offsets(%arg5 : memref<64xi32, #tpu.memory_space<vmem>>) semaphore(%arg7 : memref<!tpu.dma_semaphore, #tpu.memory_space<semaphore_mem>>)
    %dma_wait3A = arith.constant 0 : i32
    %dma_wait3A_5 = arith.constant 0 : i32
    %dma_wait3A_6 = tpu.memref_slice %arg2[%dma_wait3A, %dma_wait3A_5] : memref<32768x128xf32, #tpu.memory_space<hbm>> -> memref<32768x128xf32, #tpu.memory_space<hbm>>
    tpu.wait_indirect_dma semaphore(%arg7 : memref<!tpu.dma_semaphore, #tpu.memory_space<semaphore_mem>>) src(%dma_wait3A_6 : memref<32768x128xf32, #tpu.memory_space<hbm>>) dst(%arg6 : memref<64x128xf32, #tpu.memory_space<vmem>>)
    "tpu.region"() ({
      %run_scoped3A = tpu.sem_alloc : memref<!tpu.dma_semaphore, #tpu.memory_space<semaphore_mem>>
      %dma_start3A_7 = arith.constant 0 : i32
      %dma_start3A_8 = tpu.memref_slice %arg4[%mul3A_2, %dma_start3A_7] : memref<2048x128xf32, #tpu.memory_space<hbm>> -> memref<64x128xf32, #tpu.memory_space<hbm>>
      %dma_start3A_9 = arith.constant 0 : i32
      %dma_start3A_10 = tpu.memref_slice %arg4[%mul3A_2, %dma_start3A_9] : memref<2048x128xf32, #tpu.memory_space<hbm>> -> memref<64x128xf32, #tpu.memory_space<hbm>>
      tpu.enqueue_dma source(%arg6 : memref<64x128xf32, #tpu.memory_space<vmem>>) target(%dma_start3A_10 : memref<64x128xf32, #tpu.memory_space<hbm>>) target_semaphore(%run_scoped3A : memref<!tpu.dma_semaphore, #tpu.memory_space<semaphore_mem>>)
      %dma_wait3A_11 = arith.constant 0 : i32
      %dma_wait3A_12 = tpu.memref_slice %arg4[%mul3A_2, %dma_wait3A_11] : memref<2048x128xf32, #tpu.memory_space<hbm>> -> memref<64x128xf32, #tpu.memory_space<hbm>>
      %dma_wait3A_13 = arith.constant 0 : i32
      %dma_wait3A_14 = tpu.memref_slice %arg4[%mul3A_2, %dma_wait3A_13] : memref<2048x128xf32, #tpu.memory_space<hbm>> -> memref<64x128xf32, #tpu.memory_space<hbm>>
      tpu.wait_dma2 semaphore(%run_scoped3A : memref<!tpu.dma_semaphore, #tpu.memory_space<semaphore_mem>>) src(%arg6 : memref<64x128xf32, #tpu.memory_space<vmem>>) dst(%dma_wait3A_14 : memref<64x128xf32, #tpu.memory_space<hbm>>)
      tpu.yield
    }) : () -> ()
    return
  }
}

module attributes {stable_mosaic.version = 14 : i64} {
  func.func @_sim_argmax_body(%arg0: i32, %arg1: memref<1024x128xf32, #tpu.memory_space<vmem>>, %arg2: memref<1024x128xf32, #tpu.memory_space<vmem>>, %arg3: memref<128x2048xf32, #tpu.memory_space<vmem>>, %arg4: memref<32768xi32, #tpu.memory_space<vmem>>, %arg5: memref<1024xi32, #tpu.memory_space<vmem>>, %arg6: memref<2048xi32, #tpu.memory_space<vmem>>, %arg7: memref<2048x128xf32, #tpu.memory_space<vmem>>, %arg8: memref<1024x128xf32, #tpu.memory_space<vmem>>, %arg9: memref<1024x128xf32, #tpu.memory_space<vmem>>, %arg10: memref<1024x2048xf32, #tpu.memory_space<vmem>>, %arg11: memref<1024x2048xf32, #tpu.memory_space<vmem>>, %arg12: memref<1024x1xf32, #tpu.memory_space<vmem>>, %arg13: memref<1024x1xf32, #tpu.memory_space<vmem>>, %arg14: memref<1024x1xf32, #tpu.memory_space<vmem>>, %arg15: memref<1024x1xf32, #tpu.memory_space<vmem>>, %arg16: memref<1024x1xi32, #tpu.memory_space<vmem>>) attributes {dimension_semantics = [#tpu.dimension_semantics<arbitrary>], iteration_bounds = array<i64: 16>, scalar_prefetch = 0 : i64, scratch_operands = 9 : i64, tpu.core_type = #tpu.core_type<tc>, window_params = [{pipeline_mode = #tpu.pipeline_mode<synchronous>, transform_indices = @transform_0, window_bounds = array<i64: 1024, 128>}, {pipeline_mode = #tpu.pipeline_mode<synchronous>, transform_indices = @transform_1, window_bounds = array<i64: 1024, 128>}, {transform_indices = @transform_2, window_bounds = array<i64: 128, 2048>}, {pipeline_mode = #tpu.pipeline_mode<synchronous>, transform_indices = @transform_3, window_bounds = array<i64: 32768>}, {pipeline_mode = #tpu.pipeline_mode<synchronous>, transform_indices = @transform_4, window_bounds = array<i64: 1024>}, {pipeline_mode = #tpu.pipeline_mode<synchronous>, transform_indices = @transform_5, window_bounds = array<i64: 2048>}, {transform_indices = @transform_6, window_bounds = array<i64: 2048, 128>}]} {
    %eq3A = arith.constant 0 : i32
    %eq3A_0 = arith.cmpi eq, %arg0, %eq3A : i32
    %convert_element_type3A = arith.extui %eq3A_0 : i1 to i32
    %cond3A = arith.constant 0 : i32
    %cond3A_1 = arith.cmpi ne, %convert_element_type3A, %cond3A : i32
    scf.if %cond3A_1 {
      %get3A_99 = arith.constant 0 : index
      %get3A_100 = arith.constant 0 : index
      %get3A_101 = vector.load %arg1[%get3A_99, %get3A_100] : memref<1024x128xf32, #tpu.memory_space<vmem>>, vector<1024x128xf32>
      %mul3A_102 = arith.mulf %get3A_101, %get3A_101 : vector<1024x128xf32>
      %reduce_sum3A = arith.constant dense<0.000000e+00> : vector<1024xf32>
      %reduce_sum3A_103 = vector.multi_reduction <add>, %mul3A_102, %reduce_sum3A [1] : vector<1024x128xf32> to vector<1024xf32>
      %broadcast_in_dim3A_104 = vector.shape_cast %reduce_sum3A_103 : vector<1024xf32> to vector<1024x1xf32>
      %max3A_105 = arith.constant 1.000000e-24 : f32
      %max3A_106 = vector.broadcast %max3A_105 : f32 to vector<1024x1xf32>
      %max3A_107 = arith.maximumf %broadcast_in_dim3A_104, %max3A_106 : vector<1024x1xf32>
      %rsqrt3A = math.rsqrt %max3A_107 : vector<1024x1xf32>
      %mul3A_108 = vector.broadcast %rsqrt3A : vector<1024x1xf32> to vector<1024x128xf32>
      %mul3A_109 = arith.mulf %get3A_101, %mul3A_108 : vector<1024x128xf32>
      %swap3A_110 = arith.constant 0 : index
      %swap3A_111 = arith.constant 0 : index
      %swap3A_112 = vector.load %arg8[%swap3A_110, %swap3A_111] : memref<1024x128xf32, #tpu.memory_space<vmem>>, vector<1024x128xf32>
      tpu.vector_store %arg8[%swap3A_110, %swap3A_111], %mul3A_109 {strides = array<i32>} : memref<1024x128xf32, #tpu.memory_space<vmem>>, vector<1024x128xf32>,
      %get3A_113 = arith.constant 0 : index
      %get3A_114 = arith.constant 0 : index
      %get3A_115 = vector.load %arg2[%get3A_113, %get3A_114] : memref<1024x128xf32, #tpu.memory_space<vmem>>, vector<1024x128xf32>
      %mul3A_116 = arith.mulf %get3A_115, %get3A_115 : vector<1024x128xf32>
      %reduce_sum3A_117 = arith.constant dense<0.000000e+00> : vector<1024xf32>
      %reduce_sum3A_118 = vector.multi_reduction <add>, %mul3A_116, %reduce_sum3A_117 [1] : vector<1024x128xf32> to vector<1024xf32>
      %broadcast_in_dim3A_119 = vector.shape_cast %reduce_sum3A_118 : vector<1024xf32> to vector<1024x1xf32>
      %max3A_120 = arith.constant 1.000000e-24 : f32
      %max3A_121 = vector.broadcast %max3A_120 : f32 to vector<1024x1xf32>
      %max3A_122 = arith.maximumf %broadcast_in_dim3A_119, %max3A_121 : vector<1024x1xf32>
      %rsqrt3A_123 = math.rsqrt %max3A_122 : vector<1024x1xf32>
      %mul3A_124 = vector.broadcast %rsqrt3A_123 : vector<1024x1xf32> to vector<1024x128xf32>
      %mul3A_125 = arith.mulf %get3A_115, %mul3A_124 : vector<1024x128xf32>
      %swap3A_126 = arith.constant 0 : index
      %swap3A_127 = arith.constant 0 : index
      %swap3A_128 = vector.load %arg9[%swap3A_126, %swap3A_127] : memref<1024x128xf32, #tpu.memory_space<vmem>>, vector<1024x128xf32>
      tpu.vector_store %arg9[%swap3A_126, %swap3A_127], %mul3A_125 {strides = array<i32>} : memref<1024x128xf32, #tpu.memory_space<vmem>>, vector<1024x128xf32>,
      %broadcast_in_dim3A_129 = arith.constant 0xFF800000 : f32
      %broadcast_in_dim3A_130 = vector.broadcast %broadcast_in_dim3A_129 : f32 to vector<1024x2048xf32>
      %swap3A_131 = arith.constant 0 : index
      %swap3A_132 = arith.constant 0 : index
      %swap3A_133 = vector.load %arg10[%swap3A_131, %swap3A_132] : memref<1024x2048xf32, #tpu.memory_space<vmem>>, vector<1024x2048xf32>
      tpu.vector_store %arg10[%swap3A_131, %swap3A_132], %broadcast_in_dim3A_130 {strides = array<i32>} : memref<1024x2048xf32, #tpu.memory_space<vmem>>, vector<1024x2048xf32>,
      %broadcast_in_dim3A_134 = arith.constant 0xFF800000 : f32
      %broadcast_in_dim3A_135 = vector.broadcast %broadcast_in_dim3A_134 : f32 to vector<1024x2048xf32>
      %swap3A_136 = arith.constant 0 : index
      %swap3A_137 = arith.constant 0 : index
      %swap3A_138 = vector.load %arg11[%swap3A_136, %swap3A_137] : memref<1024x2048xf32, #tpu.memory_space<vmem>>, vector<1024x2048xf32>
      tpu.vector_store %arg11[%swap3A_136, %swap3A_137], %broadcast_in_dim3A_135 {strides = array<i32>} : memref<1024x2048xf32, #tpu.memory_space<vmem>>, vector<1024x2048xf32>,
      %broadcast_in_dim3A_139 = arith.constant 0xFF800000 : f32
      %broadcast_in_dim3A_140 = vector.broadcast %broadcast_in_dim3A_139 : f32 to vector<1024x1xf32>
      %swap3A_141 = arith.constant 0 : index
      %swap3A_142 = arith.constant 0 : index
      %swap3A_143 = vector.load %arg12[%swap3A_141, %swap3A_142] : memref<1024x1xf32, #tpu.memory_space<vmem>>, vector<1024x1xf32>
      tpu.vector_store %arg12[%swap3A_141, %swap3A_142], %broadcast_in_dim3A_140 {strides = array<i32>} : memref<1024x1xf32, #tpu.memory_space<vmem>>, vector<1024x1xf32>,
      %broadcast_in_dim3A_144 = arith.constant 0xFF800000 : f32
      %broadcast_in_dim3A_145 = vector.broadcast %broadcast_in_dim3A_144 : f32 to vector<1024x1xf32>
      %swap3A_146 = arith.constant 0 : index
      %swap3A_147 = arith.constant 0 : index
      %swap3A_148 = vector.load %arg14[%swap3A_146, %swap3A_147] : memref<1024x1xf32, #tpu.memory_space<vmem>>, vector<1024x1xf32>
      tpu.vector_store %arg14[%swap3A_146, %swap3A_147], %broadcast_in_dim3A_145 {strides = array<i32>} : memref<1024x1xf32, #tpu.memory_space<vmem>>, vector<1024x1xf32>,
      %broadcast_in_dim3A_149 = arith.constant 0.000000e+00 : f32
      %broadcast_in_dim3A_150 = vector.broadcast %broadcast_in_dim3A_149 : f32 to vector<1024x1xf32>
      %swap3A_151 = arith.constant 0 : index
      %swap3A_152 = arith.constant 0 : index
      %swap3A_153 = vector.load %arg13[%swap3A_151, %swap3A_152] : memref<1024x1xf32, #tpu.memory_space<vmem>>, vector<1024x1xf32>
      tpu.vector_store %arg13[%swap3A_151, %swap3A_152], %broadcast_in_dim3A_150 {strides = array<i32>} : memref<1024x1xf32, #tpu.memory_space<vmem>>, vector<1024x1xf32>,
      %broadcast_in_dim3A_154 = arith.constant 0.000000e+00 : f32
      %broadcast_in_dim3A_155 = vector.broadcast %broadcast_in_dim3A_154 : f32 to vector<1024x1xf32>
      %swap3A_156 = arith.constant 0 : index
      %swap3A_157 = arith.constant 0 : index
      %swap3A_158 = vector.load %arg15[%swap3A_156, %swap3A_157] : memref<1024x1xf32, #tpu.memory_space<vmem>>, vector<1024x1xf32>
      tpu.vector_store %arg15[%swap3A_156, %swap3A_157], %broadcast_in_dim3A_155 {strides = array<i32>} : memref<1024x1xf32, #tpu.memory_space<vmem>>, vector<1024x1xf32>,
      %get3A_159 = arith.constant 0 : index
      %get3A_160 = vector.load %arg5[%get3A_159] : memref<1024xi32, #tpu.memory_space<vmem>>, vector<1024xi32>
      %reshape3A_161 = vector.shape_cast %get3A_160 : vector<1024xi32> to vector<1024x1xi32>
      %swap3A_162 = arith.constant 0 : index
      %swap3A_163 = arith.constant 0 : index
      %swap3A_164 = vector.load %arg16[%swap3A_162, %swap3A_163] : memref<1024x1xi32, #tpu.memory_space<vmem>>, vector<1024x1xi32>
      tpu.vector_store %arg16[%swap3A_162, %swap3A_163], %reshape3A_161 {strides = array<i32>} : memref<1024x1xi32, #tpu.memory_space<vmem>>, vector<1024x1xi32>,
    } else {
    }
    %get3A = arith.constant 0 : index
    %get3A_2 = arith.constant 0 : index
    %get3A_3 = vector.load %arg3[%get3A, %get3A_2] : memref<128x2048xf32, #tpu.memory_space<vmem>>, vector<128x2048xf32>
    %mul3A = arith.constant 2048 : i32
    %mul3A_4 = arith.muli %arg0, %mul3A : i32
    %get3A_5 = arith.index_cast %mul3A_4 : i32 to index
    %get3A_6 = vector.load %arg4[%get3A_5] : memref<32768xi32, #tpu.memory_space<vmem>>, vector<2048xi32>
    %reshape3A = vector.shape_cast %get3A_6 : vector<2048xi32> to vector<1x2048xi32>
    %get3A_7 = arith.constant 0 : index
    %get3A_8 = arith.constant 0 : index
    %get3A_9 = vector.load %arg16[%get3A_7, %get3A_8] : memref<1024x1xi32, #tpu.memory_space<vmem>>, vector<1024x1xi32>
    %eq3A_10 = vector.broadcast %reshape3A : vector<1x2048xi32> to vector<1024x2048xi32>
    %eq3A_11 = vector.broadcast %get3A_9 : vector<1024x1xi32> to vector<1024x2048xi32>
    %eq3A_12 = arith.cmpi eq, %eq3A_10, %eq3A_11 : vector<1024x2048xi32>
    %convert_element_type3A_13 = arith.sitofp %arg0 : i32 to f32
    %mul3A_14 = arith.constant 1.000000e+00 : f32
    %mul3A_15 = arith.mulf %mul3A_14, %convert_element_type3A_13 : f32
    %iota3A = tpu.iota {dimensions = array<i32: 0>} : vector<128x128xi32>
    %iota3A_16 = tpu.iota {dimensions = array<i32: 1>} : vector<128x128xi32>
    %eq3A_17 = arith.cmpi eq, %iota3A, %iota3A_16 : vector<128x128xi32>
    %jit3A = arith.constant 1.000000e+00 : f32
    %jit3A_18 = arith.constant 0.000000e+00 : f32
    %broadcast_in_dim3A = vector.broadcast %jit3A : f32 to vector<128x128xf32>
    %broadcast_in_dim3A_19 = vector.broadcast %jit3A_18 : f32 to vector<128x128xf32>
    %select_n3A = arith.select %eq3A_17, %broadcast_in_dim3A, %broadcast_in_dim3A_19 : vector<128x128xi1>, vector<128x128xf32>
    %dot_general3A = arith.constant dense<0.000000e+00> : vector<2048x128xf32>
    %dot_general3A_20 = tpu.matmul %get3A_3, %select_n3A, %dot_general3A {dimension_numbers = #tpu.dot_dimension_numbers<[0], [0], [1], [1], [0, 1, 1, 1], [], []>, transpose_lhs_hint = false} : vector<128x2048xf32>, vector<128x128xf32>, vector<2048x128xf32> -> vector<2048x128xf32>
    %swap3A = arith.constant 0 : index
    %swap3A_21 = arith.constant 0 : index
    %swap3A_22 = vector.load %arg7[%swap3A, %swap3A_21] : memref<2048x128xf32, #tpu.memory_space<vmem>>, vector<2048x128xf32>
    tpu.vector_store %arg7[%swap3A, %swap3A_21], %dot_general3A_20 {strides = array<i32>} : memref<2048x128xf32, #tpu.memory_space<vmem>>, vector<2048x128xf32>,
    %get3A_23 = arith.constant 0 : index
    %get3A_24 = arith.constant 0 : index
    %get3A_25 = vector.load %arg8[%get3A_23, %get3A_24] : memref<1024x128xf32, #tpu.memory_space<vmem>>, vector<1024x128xf32>
    %dot_general3A_26 = arith.constant dense<0.000000e+00> : vector<1024x2048xf32>
    %dot_general3A_27 = tpu.matmul %get3A_25, %get3A_3, %dot_general3A_26 {dimension_numbers = #tpu.dot_dimension_numbers<[1], [0], [0], [1], [0, 0, 1, 1], [], []>, transpose_lhs_hint = false} : vector<1024x128xf32>, vector<128x2048xf32>, vector<1024x2048xf32> -> vector<1024x2048xf32>
    %jit3A_28 = arith.constant -1.000000e+00 : f32
    %broadcast_in_dim3A_29 = vector.broadcast %jit3A_28 : f32 to vector<1024x2048xf32>
    %select_n3A_30 = arith.select %eq3A_12, %broadcast_in_dim3A_29, %dot_general3A_27 : vector<1024x2048xi1>, vector<1024x2048xf32>
    %get3A_31 = arith.constant 0 : index
    %get3A_32 = arith.constant 0 : index
    %get3A_33 = vector.load %arg10[%get3A_31, %get3A_32] : memref<1024x2048xf32, #tpu.memory_space<vmem>>, vector<1024x2048xf32>
    %max3A = arith.maximumf %get3A_33, %select_n3A_30 : vector<1024x2048xf32>
    %swap3A_34 = arith.constant 0 : index
    %swap3A_35 = arith.constant 0 : index
    %swap3A_36 = vector.load %arg10[%swap3A_34, %swap3A_35] : memref<1024x2048xf32, #tpu.memory_space<vmem>>, vector<1024x2048xf32>
    tpu.vector_store %arg10[%swap3A_34, %swap3A_35], %max3A {strides = array<i32>} : memref<1024x2048xf32, #tpu.memory_space<vmem>>, vector<1024x2048xf32>,
    %reduce_max3A = arith.constant dense<0xFF800000> : vector<1024xf32>
    %reduce_max3A_37 = vector.multi_reduction <maximumf>, %select_n3A_30, %reduce_max3A [1] : vector<1024x2048xf32> to vector<1024xf32>
    %broadcast_in_dim3A_38 = vector.shape_cast %reduce_max3A_37 : vector<1024xf32> to vector<1024x1xf32>
    %get3A_39 = arith.constant 0 : index
    %get3A_40 = arith.constant 0 : index
    %get3A_41 = vector.load %arg12[%get3A_39, %get3A_40] : memref<1024x1xf32, #tpu.memory_space<vmem>>, vector<1024x1xf32>
    %gt3A = arith.cmpf ogt, %broadcast_in_dim3A_38, %get3A_41 : vector<1024x1xf32>
    %get3A_42 = arith.constant 0 : index
    %get3A_43 = arith.constant 0 : index
    %get3A_44 = vector.load %arg12[%get3A_42, %get3A_43] : memref<1024x1xf32, #tpu.memory_space<vmem>>, vector<1024x1xf32>
    %select_n3A_45 = arith.select %gt3A, %broadcast_in_dim3A_38, %get3A_44 : vector<1024x1xi1>, vector<1024x1xf32>
    %swap3A_46 = arith.constant 0 : index
    %swap3A_47 = arith.constant 0 : index
    %swap3A_48 = vector.load %arg12[%swap3A_46, %swap3A_47] : memref<1024x1xf32, #tpu.memory_space<vmem>>, vector<1024x1xf32>
    tpu.vector_store %arg12[%swap3A_46, %swap3A_47], %select_n3A_45 {strides = array<i32>} : memref<1024x1xf32, #tpu.memory_space<vmem>>, vector<1024x1xf32>,
    %get3A_49 = arith.constant 0 : index
    %get3A_50 = arith.constant 0 : index
    %get3A_51 = vector.load %arg13[%get3A_49, %get3A_50] : memref<1024x1xf32, #tpu.memory_space<vmem>>, vector<1024x1xf32>
    %broadcast_in_dim3A_52 = vector.broadcast %mul3A_15 : f32 to vector<1024x1xf32>
    %select_n3A_53 = arith.select %gt3A, %broadcast_in_dim3A_52, %get3A_51 : vector<1024x1xi1>, vector<1024x1xf32>
    %swap3A_54 = arith.constant 0 : index
    %swap3A_55 = arith.constant 0 : index
    %swap3A_56 = vector.load %arg13[%swap3A_54, %swap3A_55] : memref<1024x1xf32, #tpu.memory_space<vmem>>, vector<1024x1xf32>
    tpu.vector_store %arg13[%swap3A_54, %swap3A_55], %select_n3A_53 {strides = array<i32>} : memref<1024x1xf32, #tpu.memory_space<vmem>>, vector<1024x1xf32>,
    %get3A_57 = arith.constant 0 : index
    %get3A_58 = arith.constant 0 : index
    %get3A_59 = vector.load %arg9[%get3A_57, %get3A_58] : memref<1024x128xf32, #tpu.memory_space<vmem>>, vector<1024x128xf32>
    %dot_general3A_60 = arith.constant dense<0.000000e+00> : vector<1024x2048xf32>
    %dot_general3A_61 = tpu.matmul %get3A_59, %get3A_3, %dot_general3A_60 {dimension_numbers = #tpu.dot_dimension_numbers<[1], [0], [0], [1], [0, 0, 1, 1], [], []>, transpose_lhs_hint = false} : vector<1024x128xf32>, vector<128x2048xf32>, vector<1024x2048xf32> -> vector<1024x2048xf32>
    %jit3A_62 = arith.constant -1.000000e+00 : f32
    %broadcast_in_dim3A_63 = vector.broadcast %jit3A_62 : f32 to vector<1024x2048xf32>
    %select_n3A_64 = arith.select %eq3A_12, %broadcast_in_dim3A_63, %dot_general3A_61 : vector<1024x2048xi1>, vector<1024x2048xf32>
    %get3A_65 = arith.constant 0 : index
    %get3A_66 = arith.constant 0 : index
    %get3A_67 = vector.load %arg11[%get3A_65, %get3A_66] : memref<1024x2048xf32, #tpu.memory_space<vmem>>, vector<1024x2048xf32>
    %max3A_68 = arith.maximumf %get3A_67, %select_n3A_64 : vector<1024x2048xf32>
    %swap3A_69 = arith.constant 0 : index
    %swap3A_70 = arith.constant 0 : index
    %swap3A_71 = vector.load %arg11[%swap3A_69, %swap3A_70] : memref<1024x2048xf32, #tpu.memory_space<vmem>>, vector<1024x2048xf32>
    tpu.vector_store %arg11[%swap3A_69, %swap3A_70], %max3A_68 {strides = array<i32>} : memref<1024x2048xf32, #tpu.memory_space<vmem>>, vector<1024x2048xf32>,
    %reduce_max3A_72 = arith.constant dense<0xFF800000> : vector<1024xf32>
    %reduce_max3A_73 = vector.multi_reduction <maximumf>, %select_n3A_64, %reduce_max3A_72 [1] : vector<1024x2048xf32> to vector<1024xf32>
    %broadcast_in_dim3A_74 = vector.shape_cast %reduce_max3A_73 : vector<1024xf32> to vector<1024x1xf32>
    %get3A_75 = arith.constant 0 : index
    %get3A_76 = arith.constant 0 : index
    %get3A_77 = vector.load %arg14[%get3A_75, %get3A_76] : memref<1024x1xf32, #tpu.memory_space<vmem>>, vector<1024x1xf32>
    %gt3A_78 = arith.cmpf ogt, %broadcast_in_dim3A_74, %get3A_77 : vector<1024x1xf32>
    %get3A_79 = arith.constant 0 : index
    %get3A_80 = arith.constant 0 : index
    %get3A_81 = vector.load %arg14[%get3A_79, %get3A_80] : memref<1024x1xf32, #tpu.memory_space<vmem>>, vector<1024x1xf32>
    %select_n3A_82 = arith.select %gt3A_78, %broadcast_in_dim3A_74, %get3A_81 : vector<1024x1xi1>, vector<1024x1xf32>
    %swap3A_83 = arith.constant 0 : index
    %swap3A_84 = arith.constant 0 : index
    %swap3A_85 = vector.load %arg14[%swap3A_83, %swap3A_84] : memref<1024x1xf32, #tpu.memory_space<vmem>>, vector<1024x1xf32>
    tpu.vector_store %arg14[%swap3A_83, %swap3A_84], %select_n3A_82 {strides = array<i32>} : memref<1024x1xf32, #tpu.memory_space<vmem>>, vector<1024x1xf32>,
    %get3A_86 = arith.constant 0 : index
    %get3A_87 = arith.constant 0 : index
    %get3A_88 = vector.load %arg15[%get3A_86, %get3A_87] : memref<1024x1xf32, #tpu.memory_space<vmem>>, vector<1024x1xf32>
    %broadcast_in_dim3A_89 = vector.broadcast %mul3A_15 : f32 to vector<1024x1xf32>
    %select_n3A_90 = arith.select %gt3A_78, %broadcast_in_dim3A_89, %get3A_88 : vector<1024x1xi1>, vector<1024x1xf32>
    %swap3A_91 = arith.constant 0 : index
    %swap3A_92 = arith.constant 0 : index
    %swap3A_93 = vector.load %arg15[%swap3A_91, %swap3A_92] : memref<1024x1xf32, #tpu.memory_space<vmem>>, vector<1024x1xf32>
    tpu.vector_store %arg15[%swap3A_91, %swap3A_92], %select_n3A_90 {strides = array<i32>} : memref<1024x1xf32, #tpu.memory_space<vmem>>, vector<1024x1xf32>,
    %eq3A_94 = arith.constant 15 : i32
    %eq3A_95 = arith.cmpi eq, %arg0, %eq3A_94 : i32
    %convert_element_type3A_96 = arith.extui %eq3A_95 : i1 to i32
    %cond3A_97 = arith.constant 0 : i32
    %cond3A_98 = arith.cmpi ne, %convert_element_type3A_96, %cond3A_97 : i32
    scf.if %cond3A_98 {
      %iota3A_99 = tpu.iota {dimensions = array<i32: 1>} : vector<1024x2048xi32>
      %convert_element_type3A_100 = arith.sitofp %iota3A_99 : vector<1024x2048xi32> to vector<1024x2048xf32>
      %get3A_101 = arith.constant 0 : index
      %get3A_102 = arith.constant 0 : index
      %get3A_103 = vector.load %arg10[%get3A_101, %get3A_102] : memref<1024x2048xf32, #tpu.memory_space<vmem>>, vector<1024x2048xf32>
      %get3A_104 = arith.constant 0 : index
      %get3A_105 = arith.constant 0 : index
      %get3A_106 = vector.load %arg12[%get3A_104, %get3A_105] : memref<1024x1xf32, #tpu.memory_space<vmem>>, vector<1024x1xf32>
      %eq3A_107 = vector.broadcast %get3A_106 : vector<1024x1xf32> to vector<1024x2048xf32>
      %eq3A_108 = arith.cmpf oeq, %get3A_103, %eq3A_107 : vector<1024x2048xf32>
      %jit3A_109 = arith.constant 1.000000e+09 : f32
      %broadcast_in_dim3A_110 = vector.broadcast %jit3A_109 : f32 to vector<1024x2048xf32>
      %select_n3A_111 = arith.select %eq3A_108, %convert_element_type3A_100, %broadcast_in_dim3A_110 : vector<1024x2048xi1>, vector<1024x2048xf32>
      %reduce_min3A = arith.constant dense<0x7F800000> : vector<1024xf32>
      %reduce_min3A_112 = vector.multi_reduction <minimumf>, %select_n3A_111, %reduce_min3A [1] : vector<1024x2048xf32> to vector<1024xf32>
      %broadcast_in_dim3A_113 = vector.shape_cast %reduce_min3A_112 : vector<1024xf32> to vector<1024x1xf32>
      %get3A_114 = arith.constant 0 : index
      %get3A_115 = arith.constant 0 : index
      %get3A_116 = vector.load %arg13[%get3A_114, %get3A_115] : memref<1024x1xf32, #tpu.memory_space<vmem>>, vector<1024x1xf32>
      %mul3A_117 = arith.constant 2.048000e+03 : f32
      %mul3A_118 = vector.broadcast %mul3A_117 : f32 to vector<1024x1xf32>
      %mul3A_119 = arith.mulf %get3A_116, %mul3A_118 : vector<1024x1xf32>
      %add3A = arith.addf %mul3A_119, %broadcast_in_dim3A_113 : vector<1024x1xf32>
      %convert_element_type3A_120 = arith.fptosi %add3A : vector<1024x1xf32> to vector<1024x1xi32>
      %reshape3A_121 = vector.shape_cast %convert_element_type3A_120 : vector<1024x1xi32> to vector<1024xi32>
      %swap3A_122 = arith.constant 0 : index
      %swap3A_123 = vector.load %arg6[%swap3A_122] : memref<2048xi32, #tpu.memory_space<vmem>>, vector<1024xi32>
      tpu.vector_store %arg6[%swap3A_122], %reshape3A_121 {strides = array<i32>} : memref<2048xi32, #tpu.memory_space<vmem>>, vector<1024xi32>,
      %get3A_124 = arith.constant 0 : index
      %get3A_125 = arith.constant 0 : index
      %get3A_126 = vector.load %arg11[%get3A_124, %get3A_125] : memref<1024x2048xf32, #tpu.memory_space<vmem>>, vector<1024x2048xf32>
      %get3A_127 = arith.constant 0 : index
      %get3A_128 = arith.constant 0 : index
      %get3A_129 = vector.load %arg14[%get3A_127, %get3A_128] : memref<1024x1xf32, #tpu.memory_space<vmem>>, vector<1024x1xf32>
      %eq3A_130 = vector.broadcast %get3A_129 : vector<1024x1xf32> to vector<1024x2048xf32>
      %eq3A_131 = arith.cmpf oeq, %get3A_126, %eq3A_130 : vector<1024x2048xf32>
      %jit3A_132 = arith.constant 1.000000e+09 : f32
      %broadcast_in_dim3A_133 = vector.broadcast %jit3A_132 : f32 to vector<1024x2048xf32>
      %select_n3A_134 = arith.select %eq3A_131, %convert_element_type3A_100, %broadcast_in_dim3A_133 : vector<1024x2048xi1>, vector<1024x2048xf32>
      %reduce_min3A_135 = arith.constant dense<0x7F800000> : vector<1024xf32>
      %reduce_min3A_136 = vector.multi_reduction <minimumf>, %select_n3A_134, %reduce_min3A_135 [1] : vector<1024x2048xf32> to vector<1024xf32>
      %broadcast_in_dim3A_137 = vector.shape_cast %reduce_min3A_136 : vector<1024xf32> to vector<1024x1xf32>
      %get3A_138 = arith.constant 0 : index
      %get3A_139 = arith.constant 0 : index
      %get3A_140 = vector.load %arg15[%get3A_138, %get3A_139] : memref<1024x1xf32, #tpu.memory_space<vmem>>, vector<1024x1xf32>
      %mul3A_141 = arith.constant 2.048000e+03 : f32
      %mul3A_142 = vector.broadcast %mul3A_141 : f32 to vector<1024x1xf32>
      %mul3A_143 = arith.mulf %get3A_140, %mul3A_142 : vector<1024x1xf32>
      %add3A_144 = arith.addf %mul3A_143, %broadcast_in_dim3A_137 : vector<1024x1xf32>
      %convert_element_type3A_145 = arith.fptosi %add3A_144 : vector<1024x1xf32> to vector<1024x1xi32>
      %reshape3A_146 = vector.shape_cast %convert_element_type3A_145 : vector<1024x1xi32> to vector<1024xi32>
      %swap3A_147 = arith.constant 1024 : index
      %swap3A_148 = vector.load %arg6[%swap3A_147] : memref<2048xi32, #tpu.memory_space<vmem>>, vector<1024xi32>
      tpu.vector_store %arg6[%swap3A_147], %reshape3A_146 {strides = array<i32>} : memref<2048xi32, #tpu.memory_space<vmem>>, vector<1024xi32>,
    } else {
    }
    return
  }
  func.func @transform_0(%arg0: i32) -> (i32, i32) {
    %c0_i32 = arith.constant 0 : i32
    %c0_i32_0 = arith.constant 0 : i32
    %c0_i32_1 = arith.constant 0 : i32
    return %c0_i32, %c0_i32_0 : i32, i32
  }
  func.func @transform_1(%arg0: i32) -> (i32, i32) {
    %c0_i32 = arith.constant 0 : i32
    %c0_i32_0 = arith.constant 0 : i32
    %c0_i32_1 = arith.constant 0 : i32
    return %c0_i32, %c0_i32_0 : i32, i32
  }
  func.func @transform_2(%arg0: i32) -> (i32, i32) {
    %c0_i32 = arith.constant 0 : i32
    %c0_i32_0 = arith.constant 0 : i32
    return %c0_i32, %arg0 : i32, i32
  }
  func.func @transform_3(%arg0: i32) -> i32 {
    %c0_i32 = arith.constant 0 : i32
    %c0_i32_0 = arith.constant 0 : i32
    return %c0_i32 : i32
  }
  func.func @transform_4(%arg0: i32) -> i32 {
    %c0_i32 = arith.constant 0 : i32
    %c0_i32_0 = arith.constant 0 : i32
    return %c0_i32 : i32
  }
  func.func @transform_5(%arg0: i32) -> i32 {
    %c0_i32 = arith.constant 0 : i32
    %c0_i32_0 = arith.constant 0 : i32
    return %c0_i32 : i32
  }
  func.func @transform_6(%arg0: i32) -> (i32, i32) {
    %c0_i32 = arith.constant 0 : i32
    %c0_i32_0 = arith.constant 0 : i32
    return %arg0, %c0_i32 : i32, i32
  }
}

module attributes {stable_mosaic.version = 14 : i64} {
  func.func @_loss_body(%arg0: memref<1024x128xf32, #tpu.memory_space<vmem>>, %arg1: memref<1024x128xf32, #tpu.memory_space<vmem>>, %arg2: memref<2048x128xf32, #tpu.memory_space<vmem>>, %arg3: memref<1x1xf32, #tpu.memory_space<smem>>) attributes {dimension_semantics = [], scalar_prefetch = 0 : i64, scratch_operands = 0 : i64, tpu.core_type = #tpu.core_type<tc>} {
    %get3A = arith.constant 0 : index
    %get3A_0 = arith.constant 0 : index
    %get3A_1 = vector.load %arg0[%get3A, %get3A_0] : memref<1024x128xf32, #tpu.memory_space<vmem>>, vector<1024x128xf32>
    %mul3A = arith.mulf %get3A_1, %get3A_1 : vector<1024x128xf32>
    %reduce_sum3A = arith.constant dense<0.000000e+00> : vector<1024xf32>
    %reduce_sum3A_2 = vector.multi_reduction <add>, %mul3A, %reduce_sum3A [1] : vector<1024x128xf32> to vector<1024xf32>
    %broadcast_in_dim3A = vector.shape_cast %reduce_sum3A_2 : vector<1024xf32> to vector<1024x1xf32>
    %max3A = arith.constant 1.000000e-24 : f32
    %max3A_3 = vector.broadcast %max3A : f32 to vector<1024x1xf32>
    %max3A_4 = arith.maximumf %broadcast_in_dim3A, %max3A_3 : vector<1024x1xf32>
    %rsqrt3A = math.rsqrt %max3A_4 : vector<1024x1xf32>
    %mul3A_5 = vector.broadcast %rsqrt3A : vector<1024x1xf32> to vector<1024x128xf32>
    %mul3A_6 = arith.mulf %get3A_1, %mul3A_5 : vector<1024x128xf32>
    %get3A_7 = arith.constant 0 : index
    %get3A_8 = arith.constant 0 : index
    %get3A_9 = vector.load %arg1[%get3A_7, %get3A_8] : memref<1024x128xf32, #tpu.memory_space<vmem>>, vector<1024x128xf32>
    %mul3A_10 = arith.mulf %get3A_9, %get3A_9 : vector<1024x128xf32>
    %reduce_sum3A_11 = arith.constant dense<0.000000e+00> : vector<1024xf32>
    %reduce_sum3A_12 = vector.multi_reduction <add>, %mul3A_10, %reduce_sum3A_11 [1] : vector<1024x128xf32> to vector<1024xf32>
    %broadcast_in_dim3A_13 = vector.shape_cast %reduce_sum3A_12 : vector<1024xf32> to vector<1024x1xf32>
    %max3A_14 = arith.constant 1.000000e-24 : f32
    %max3A_15 = vector.broadcast %max3A_14 : f32 to vector<1024x1xf32>
    %max3A_16 = arith.maximumf %broadcast_in_dim3A_13, %max3A_15 : vector<1024x1xf32>
    %rsqrt3A_17 = math.rsqrt %max3A_16 : vector<1024x1xf32>
    %mul3A_18 = vector.broadcast %rsqrt3A_17 : vector<1024x1xf32> to vector<1024x128xf32>
    %mul3A_19 = arith.mulf %get3A_9, %mul3A_18 : vector<1024x128xf32>
    %iota3A = tpu.iota {dimensions = array<i32: 0>} : vector<1024x1024xi32>
    %iota3A_20 = tpu.iota {dimensions = array<i32: 1>} : vector<1024x1024xi32>
    %get3A_21 = arith.constant 1024 : index
    %get3A_22 = arith.constant 0 : index
    %get3A_23 = vector.load %arg2[%get3A_21, %get3A_22] : memref<2048x128xf32, #tpu.memory_space<vmem>>, vector<1024x128xf32>
    %dot_general3A = arith.constant dense<0.000000e+00> : vector<1024x1024xf32>
    %dot_general3A_24 = tpu.matmul %get3A_23, %mul3A_6, %dot_general3A {dimension_numbers = #tpu.dot_dimension_numbers<[1], [1], [0], [0], [0, 0, 1, 0], [], []>, transpose_lhs_hint = false} : vector<1024x128xf32>, vector<1024x128xf32>, vector<1024x1024xf32> -> vector<1024x1024xf32>
    %mul3A_25 = arith.constant 14.2857141 : f32
    %mul3A_26 = vector.broadcast %mul3A_25 : f32 to vector<1024x1024xf32>
    %mul3A_27 = arith.mulf %dot_general3A_24, %mul3A_26 : vector<1024x1024xf32>
    %reduce_max3A = arith.constant dense<0xFF800000> : vector<1024xf32>
    %reduce_max3A_28 = vector.multi_reduction <maximumf>, %mul3A_27, %reduce_max3A [1] : vector<1024x1024xf32> to vector<1024xf32>
    %broadcast_in_dim3A_29 = vector.shape_cast %reduce_max3A_28 : vector<1024xf32> to vector<1024x1xf32>
    %sub3A = vector.broadcast %broadcast_in_dim3A_29 : vector<1024x1xf32> to vector<1024x1024xf32>
    %sub3A_30 = arith.subf %mul3A_27, %sub3A : vector<1024x1024xf32>
    %exp3A = math.exp %sub3A_30 : vector<1024x1024xf32>
    %reduce_sum3A_31 = arith.constant dense<0.000000e+00> : vector<1024xf32>
    %reduce_sum3A_32 = vector.multi_reduction <add>, %exp3A, %reduce_sum3A_31 [1] : vector<1024x1024xf32> to vector<1024xf32>
    %broadcast_in_dim3A_33 = vector.shape_cast %reduce_sum3A_32 : vector<1024xf32> to vector<1024x1xf32>
    %log3A = math.log %broadcast_in_dim3A_33 : vector<1024x1xf32>
    %add3A = arith.addf %broadcast_in_dim3A_29, %log3A : vector<1024x1xf32>
    %eq3A = arith.cmpi eq, %iota3A, %iota3A_20 : vector<1024x1024xi32>
    %jit3A = arith.constant 0.000000e+00 : f32
    %broadcast_in_dim3A_34 = vector.broadcast %jit3A : f32 to vector<1024x1024xf32>
    %select_n3A = arith.select %eq3A, %mul3A_27, %broadcast_in_dim3A_34 : vector<1024x1024xi1>, vector<1024x1024xf32>
    %reduce_sum3A_35 = arith.constant dense<0.000000e+00> : vector<1024xf32>
    %reduce_sum3A_36 = vector.multi_reduction <add>, %select_n3A, %reduce_sum3A_35 [1] : vector<1024x1024xf32> to vector<1024xf32>
    %broadcast_in_dim3A_37 = vector.shape_cast %reduce_sum3A_36 : vector<1024xf32> to vector<1024x1xf32>
    %sub3A_38 = arith.subf %add3A, %broadcast_in_dim3A_37 : vector<1024x1xf32>
    %reduce_sum3A_39 = vector.shape_cast %sub3A_38 : vector<1024x1xf32> to vector<1x1024x1xf32>
    %reduce_sum3A_40 = arith.constant dense<0.000000e+00> : vector<1xf32>
    %reduce_sum3A_41 = vector.multi_reduction <add>, %reduce_sum3A_39, %reduce_sum3A_40 [1, 2] : vector<1x1024x1xf32> to vector<1xf32>
    %reduce_sum3A_42 = vector.shape_cast %reduce_sum3A_41 : vector<1xf32> to vector<1x1x1xf32>
    %reduce_sum3A_43 = vector.extract %reduce_sum3A_42[0, 0, 0] : f32 from vector<1x1x1xf32>
    %div3A = arith.constant 1.024000e+03 : f32
    %div3A_44 = arith.divf %reduce_sum3A_43, %div3A : f32
    %get3A_45 = arith.constant 0 : index
    %get3A_46 = arith.constant 0 : index
    %get3A_47 = vector.load %arg2[%get3A_45, %get3A_46] : memref<2048x128xf32, #tpu.memory_space<vmem>>, vector<1024x128xf32>
    %dot_general3A_48 = arith.constant dense<0.000000e+00> : vector<1024x1024xf32>
    %dot_general3A_49 = tpu.matmul %get3A_47, %mul3A_19, %dot_general3A_48 {dimension_numbers = #tpu.dot_dimension_numbers<[1], [1], [0], [0], [0, 0, 1, 0], [], []>, transpose_lhs_hint = false} : vector<1024x128xf32>, vector<1024x128xf32>, vector<1024x1024xf32> -> vector<1024x1024xf32>
    %mul3A_50 = arith.constant 14.2857141 : f32
    %mul3A_51 = vector.broadcast %mul3A_50 : f32 to vector<1024x1024xf32>
    %mul3A_52 = arith.mulf %dot_general3A_49, %mul3A_51 : vector<1024x1024xf32>
    %reduce_max3A_53 = arith.constant dense<0xFF800000> : vector<1024xf32>
    %reduce_max3A_54 = vector.multi_reduction <maximumf>, %mul3A_52, %reduce_max3A_53 [1] : vector<1024x1024xf32> to vector<1024xf32>
    %broadcast_in_dim3A_55 = vector.shape_cast %reduce_max3A_54 : vector<1024xf32> to vector<1024x1xf32>
    %sub3A_56 = vector.broadcast %broadcast_in_dim3A_55 : vector<1024x1xf32> to vector<1024x1024xf32>
    %sub3A_57 = arith.subf %mul3A_52, %sub3A_56 : vector<1024x1024xf32>
    %exp3A_58 = math.exp %sub3A_57 : vector<1024x1024xf32>
    %reduce_sum3A_59 = arith.constant dense<0.000000e+00> : vector<1024xf32>
    %reduce_sum3A_60 = vector.multi_reduction <add>, %exp3A_58, %reduce_sum3A_59 [1] : vector<1024x1024xf32> to vector<1024xf32>
    %broadcast_in_dim3A_61 = vector.shape_cast %reduce_sum3A_60 : vector<1024xf32> to vector<1024x1xf32>
    %log3A_62 = math.log %broadcast_in_dim3A_61 : vector<1024x1xf32>
    %add3A_63 = arith.addf %broadcast_in_dim3A_55, %log3A_62 : vector<1024x1xf32>
    %eq3A_64 = arith.cmpi eq, %iota3A, %iota3A_20 : vector<1024x1024xi32>
    %jit3A_65 = arith.constant 0.000000e+00 : f32
    %broadcast_in_dim3A_66 = vector.broadcast %jit3A_65 : f32 to vector<1024x1024xf32>
    %select_n3A_67 = arith.select %eq3A_64, %mul3A_52, %broadcast_in_dim3A_66 : vector<1024x1024xi1>, vector<1024x1024xf32>
    %reduce_sum3A_68 = arith.constant dense<0.000000e+00> : vector<1024xf32>
    %reduce_sum3A_69 = vector.multi_reduction <add>, %select_n3A_67, %reduce_sum3A_68 [1] : vector<1024x1024xf32> to vector<1024xf32>
    %broadcast_in_dim3A_70 = vector.shape_cast %reduce_sum3A_69 : vector<1024xf32> to vector<1024x1xf32>
    %sub3A_71 = arith.subf %add3A_63, %broadcast_in_dim3A_70 : vector<1024x1xf32>
    %reduce_sum3A_72 = vector.shape_cast %sub3A_71 : vector<1024x1xf32> to vector<1x1024x1xf32>
    %reduce_sum3A_73 = arith.constant dense<0.000000e+00> : vector<1xf32>
    %reduce_sum3A_74 = vector.multi_reduction <add>, %reduce_sum3A_72, %reduce_sum3A_73 [1, 2] : vector<1x1024x1xf32> to vector<1xf32>
    %reduce_sum3A_75 = vector.shape_cast %reduce_sum3A_74 : vector<1xf32> to vector<1x1x1xf32>
    %reduce_sum3A_76 = vector.extract %reduce_sum3A_75[0, 0, 0] : f32 from vector<1x1x1xf32>
    %div3A_77 = arith.constant 1.024000e+03 : f32
    %div3A_78 = arith.divf %reduce_sum3A_76, %div3A_77 : f32
    %add3A_79 = arith.addf %div3A_44, %div3A_78 : f32
    %mul3A_80 = arith.constant 5.000000e-01 : f32
    %mul3A_81 = arith.mulf %mul3A_80, %add3A_79 : f32
    %swap3A = arith.constant 0 : index
    %swap3A_82 = arith.constant 0 : index
    %swap3A_83 = memref.load %arg3[%swap3A, %swap3A_82] : memref<1x1xf32, #tpu.memory_space<smem>>
    memref.store %mul3A_81, %arg3[%swap3A, %swap3A_82] : memref<1x1xf32, #tpu.memory_space<smem>>
    return
  }
}

</mosaic_0001>

<sc_bundles>
// kernel: kernel.5.cloned.1.call-start
scs
__scs_entry_jumppad:
0x0: {  	(pc) =	sbr.rel $0x88, $3  }
0x1: {  	(tag) =	ssettag $0x0;
	lr =	simm.s32 $0x1  }
0x2: {  	[smem:$0x3F9A] =	sst lr;
	_ =	strace $0xD0000000  }
0x3: {  	_ = 	snop  }
0x4: {  	_ = 	snop  }
0x5: {  	_ = 	snop  }
0x6: {  	_ = 	snop  }
0x7: {  	_ = 	snop  }
__scs_overlays_trampoline_lowered:
0x8: {  	[smem:$0x3FA9] =	sst s0  }
0x9: {  	[smem:$0x3FAA] =	sst s1  }
0xa: {  	[smem:$0x3FAB] =	sst s2  }
0xb: {  	[smem:$0x3FAC] =	sst s3  }
0xc: {  	[smem:$0x3FAD] =	sst s4  }
0xd: {  	[smem:$0x3FAE] =	sst s5  }
0xe: {  	[smem:$0x3FAF] =	sst s6  }
0xf: {  	[smem:$0x3FB0] =	sst s7  }
0x10: {  	[smem:$0x3FB1] =	sst s8  }
0x11: {  	[smem:$0x3FB2] =	sst s9;
	s0 =	simm.s32 @!p0 $0x0  }
0x12: {  	s1 =	sld [smem:$0x3F98];
	s0 =	simm.s32 @p0 $0x1  }
0x13: {  	[smem:$0x3FB3] =	sst s0;
	s0 =	simm.s32 @!p1 $0x0  }
0x14: {  	s2 =	sld [smem:$0x3F97];
	s0 =	simm.s32 @p1 $0x1  }
0x15: {  	[smem:$0x3FB4] =	sst s0;
	s0 =	simm.s32 @!p2 $0x0  }
0x16: {  	s3 =	sld [smem:$0x3FDB];
	s0 =	simm.s32 @p2 $0x1  }
0x17: {  	s4 =	simm.s32 $0x1BF5;
	[smem:$0x3FB6] =	sst s0  }
0x18: {  	s0 =	sld [smem:$0x3F99];
	_ =	swait.ge [sflag:s4], $0x0  }
0x19: {  	s7 =	sld [smem:$0x3F9A]  }
0x1a: {  	s8 =	sadd.s32 $0xFFFFE003, lr  }
0x1b: {  	s9 =	sadd.s32 $0xFFFFFEF7, lr;
	s5 =	simm.s32 $0xFFFFFFFF;
	p2 =	slt.u32 s8, $0xFFFFF086  }
0x1c: {  	p1 =	slt.u32 s9, $0xF7A;
	s5 =	simm.s32 @!p2 $0x0  }
0x1d: {  	s5 =	simm.s32 @p1 $0x1;
	p0 =	seq.s32 s7, s2  }
0x1e: {  	s7 =	smul.u32 @!p0 $0xF7A, s2;
	p2 =	seq.s32 @!p0 s5, $0x0  }
0x1f: {  	s9 =	smul.u32 $0xF7A, s1;
	s8 =	simm.s32 @!p0 $0x1BF5;
	p2 =	por !p2, p0  }
0x20: {  	[sflag:s8] =	ssyncset.s32 @!p0 $0xFFFFF086;
	s6 =	sadd.s32 @!p0 s3, s7;
	s7 =	simm.s32 @!p0 $0x108  }
0x21: {  	s3 =	sadd.s32 s3, s9;
	s6 =	sadd.s32 @!p0 $0x88, s6;
	s7 =	simm.s32 @p2 $0x1082  }
0x22: {  	[simem:s7], [sflag:s8] =	dma.local @!p0 [hbm:s6], $0xF7A  }
0x23: {  	s9 =	sor.u32 $0xD0000000, s2;
	s6 =	simm.s32 $0x108;
	_ =	swait.ge @!p0 [sflag:s8], $0x0  }
0x24: {  	s3 =	sadd.s32 $0x88, s3;
	s6 =	simm.s32 @!p1 $0x1082;
	[sflag:s4] =	ssyncset.s32 $0xFFFFF086  }
0x25: {  	[simem:s6], [sflag:s4] =	dma.local [hbm:s3], $0xF7A  }
0x26: {  	[smem:$0x3F9A] =	sst s1;
	(tag) =	ssettag s2;
	_ =	strace s9  }
0x27: {  	s1 =	sld [smem:$0x3FAA]  }
0x28: {  	s2 =	sld [smem:$0x3FAB]  }
0x29: {  	s4 =	sld [smem:$0x3FAD]  }
0x2a: {  	p0 =	seq.s32 s5, $0x0;
	s5 =	sld [smem:$0x3FAE]  }
0x2b: {  	s6 =	sld [smem:$0x3FAF]  }
0x2c: {  	s7 =	sld [smem:$0x3FB0]  }
0x2d: {  	s3 =	simm.s32 $0x108;
	s8 =	sld [smem:$0x3FB1]  }
0x2e: {  	s3 =	simm.s32 @!p0 $0x1082;
	s9 =	sld [smem:$0x3FB2]  }
0x2f: {  	lr =	sadd.s32 s0, s3;
	s0 =	sld [smem:$0x3FA9]  }
0x30: {  	s3 =	sld [smem:$0x3FAC]  }
0x31: {  	[smem:$0x3FB5] =	sst s10  }
0x32: {  	s10 =	sld [smem:$0x3FB3];
	_ =	sdelay $0x3  }
0x33: {  	p0 =	seq.s32 s10, $0x1;
	s10 =	sld [smem:$0x3FB5];
	_ =	sdelay $0x3  }
0x34: {  	[smem:$0x3FB5] =	sst s10  }
0x35: {  	s10 =	sld [smem:$0x3FB4];
	_ =	sdelay $0x3  }
0x36: {  	p1 =	seq.s32 s10, $0x1;
	s10 =	sld [smem:$0x3FB5];
	_ =	sdelay $0x3  }
0x37: {  	[smem:$0x3FB5] =	sst s10  }
0x38: {  	s10 =	sld [smem:$0x3FB6]  }
0x39: {  	_ = 	snop;
	(pc) =	sbr.ind lr, $3  }
0x3a: {  	_ = 	snop  }
0x3b: {  	_ = 	snop  }
0x3c: {  	p2 =	seq.s32 s10, $0x1;
	s10 =	sld [smem:$0x3FB5]  }
0x3d: {  	_ =	shalt  }
0x3e: {  	_ =	shalt  }
0x3f: {  	_ =	shalt  }
0x40: {  	_ =	shalt  }
0x41: {  	_ =	shalt  }
0x42: {  	_ =	shalt  }
0x43: {  	_ =	shalt  }
0x44: {  	_ =	shalt  }
0x45: {  	_ =	shalt  }
0x46: {  	_ =	shalt  }
0x47: {  	_ =	shalt  }
0x48: {  	_ =	shalt  }
0x49: {  	_ =	shalt  }
0x4a: {  	_ =	shalt  }
0x4b: {  	_ =	shalt  }
0x4c: {  	_ =	shalt  }
0x4d: {  	_ =	shalt  }
0x4e: {  	_ =	shalt  }
0x4f: {  	_ =	shalt  }
0x50: {  	_ =	shalt  }
0x51: {  	_ =	shalt  }
0x52: {  	_ =	shalt  }
0x53: {  	_ =	shalt  }
0x54: {  	_ =	shalt  }
0x55: {  	_ =	shalt  }
0x56: {  	_ =	shalt  }
0x57: {  	_ =	shalt  }
0x58: {  	_ =	shalt  }
0x59: {  	_ =	shalt  }
0x5a: {  	_ =	shalt  }
0x5b: {  	_ =	shalt  }
0x5c: {  	_ =	shalt  }
0x5d: {  	_ =	shalt  }
0x5e: {  	_ =	shalt  }
0x5f: {  	_ =	shalt  }
0x60: {  	_ =	shalt  }
0x61: {  	_ =	shalt  }
0x62: {  	_ =	shalt  }
0x63: {  	_ =	shalt  }
0x64: {  	_ =	shalt  }
0x65: {  	_ =	shalt  }
0x66: {  	_ =	shalt  }
0x67: {  	_ =	shalt  }
0x68: {  	_ =	shalt  }
0x69: {  	_ =	shalt  }
0x6a: {  	_ =	shalt  }
0x6b: {  	_ =	shalt  }
0x6c: {  	_ =	shalt  }
0x6d: {  	_ =	shalt  }
0x6e: {  	_ =	shalt  }
0x6f: {  	_ =	shalt  }
0x70: {  	_ =	shalt  }
0x71: {  	_ =	shalt  }
0x72: {  	_ =	shalt  }
0x73: {  	_ =	shalt  }
0x74: {  	_ =	shalt  }
0x75: {  	_ =	shalt  }
0x76: {  	_ =	shalt  }
0x77: {  	_ =	shalt  }
0x78: {  	_ =	shalt  }
0x79: {  	_ =	shalt  }
0x7a: {  	_ =	shalt  }
0x7b: {  	_ =	shalt  }
0x7c: {  	_ =	shalt  }
0x7d: {  	_ =	shalt  }
0x7e: {  	_ =	shalt  }
0x7f: {  	_ =	shalt  }
0x80: {  	_ =	shalt  }
0x81: {  	_ =	shalt  }
0x82: {  	_ =	shalt  }
0x83: {  	_ =	shalt  }
0x84: {  	_ =	shalt  }
0x85: {  	_ =	shalt  }
0x86: {  	_ =	shalt  }
0x87: {  	_ =	shalt  }
.Lfunc_end0:
.L_simem_size_0:
called_computation_lowered:
.L_overlay_start_0:
0x88: {  	s2 =	sld [smem:$0x3FD9]  }
0x89: {  	s3 =	sld [smem:$0x3FFE];
	_ =	sdelay $0x1  }
0x8a: {  	s1 =	srdreg.scid  }
0x8b: {  	s0 =	sand.u32 $0x1, s1  }
0x8c: {  	s16 =	sshll.u32 s0, $0xA;
	s2 =	sadd.s32 s3, s2  }
0x8d: {  	s2 =	sadd.s32 s2, s16  }
0x8e: {  	[smem:$0x3FC1] =	sst s2  }
0x8f: {  	_ = 	snop  }
0x90: {  	(tm) =	ssettm $0x1  }
0x91: {  	s17 =	sld [smem:$0x3FFB];
	_ =	sdelay $0x3  }
0x92: {  	_ =	strace s17  }
0x93: {  	s2 =	sld [smem:$0x3FFC];
	_ =	sdelay $0x3  }
0x94: {  	_ =	strace s2  }
0x95: {  	s2 =	sld [smem:$0x3FFD];
	_ =	sdelay $0x3  }
0x96: {  	_ =	strace s2  }
0x97: {  	_ =	strace $0x8FFFFFFF  }
0x98: {  	s18 =	sld [smem:$0x3FDB];
	_ =	sdelay $0x1  }
0x99: {  	s19 =	simm.s32 $_scs_section_size  }
0x9a: {  	s4 =	simm.s32 $_size__tile_overlayer_lowered;
	s5 =	simm.s32 $_tile_overlayer_lowered  }
0x9b: {  	s22 =	simm.s32 $0x1BFF;
	s21 =	sshll.u32 s5, $0x1;
	s2 =	sadd.s32 s19, s18  }
0x9c: {  	s6 =	simm.s32 $0x0;
	s20 =	sshll.u32 s4, $0x1;
	s4 =	sadd.s32 s21, s2  }
0x9d: {  	[timem:s6], [sflag:s22] =	dma.local [hbm:s4], s20  }
0x9e: {  	_ =	swait.ge [sflag:s22], s20  }
0x9f: {  	s3 =	ssub.s32 $0x0, s20;
	[sflag:s22] =	ssyncset.done $0x0  }
0xa0: {  	[sflag:s22] =	ssyncadd.s32 s3;
	_ =	sdelay $0x1  }
0xa1: {  	s23 =	simm.s32 $0x1B8B  }
0xa2: {  	_ =	swait.ge [sflag:s23], $0x1  }
0xa3: {  	[sflag:s23] =	ssyncset.done $0x0  }
0xa4: {  	s25 =	simm.s32 $0x1B8E;
	s24 =	sld [smem:$0x3FFE];
	[sflag:s23] =	ssyncadd.s32 $0xFFFFFFFF  }
0xa5: {  	s26 =	simm.s32 $execute0_lowered;
	[smem:$0x3FD2] =	sst s25  }
0xa6: {  	s4 =	sshll.u32 s26, $0x1;
	_ =	strace $0x80000046;
	[dreg:$0x1] =	wrdreg $0xFFFFFFFF  }
0xa7: {  	s28 =	simm.s32 $_size_execute0_lowered;
	s2 =	sadd.s32 s2, s4;
	[dreg:$0x0] =	wrdreg $0x0  }
0xa8: {  	s4 =	sshll.u32 s28, $0x1;
	[dreg:$0x2] =	wrdreg s2  }
0xa9: {  	[dreg:$0x3] =	wrdreg s4  }
0xaa: {  	[dreg:$0x4] =	wrdreg $0xC0  }
0xab: {  	_ =	task [dreg:s6], $0x5FFFF  }
0xac: {  	[dreg:$0x1] =	wrdreg $0xFFFFFFFF  }
0xad: {  	[dreg:$0x0] =	wrdreg $0x60  }
0xae: {  	[dreg:$0x2] =	wrdreg s24  }
0xaf: {  	[dreg:$0x3] =	wrdreg $0x9  }
0xb0: {  	_ =	task.clear_ibuf [dreg:s6], $0x4FFFF;
	_ =	strace $0x90000046  }
0xb1: {  	s29 =	simm.s32 $0x9;
	_ =	strace $0x80000048  }
0xb2: {  	_ =	swait.ge [sflag:s29], $0x1  }
0xb3: {  	[sflag:s29] =	ssyncadd.s32 $0xFFFFFFFF  }
0xb4: {  	_ =	strace $0x90000048  }
0xb5: {  	_ =	sfence  }
0xb6: {  	s30 =	sld [smem:$0x0];
	_ =	sdelay $0x2  }
0xb7: {  	s31 =	sshll.u32 s1, $0xD;
	s1 =	sshrl.u32 s1, $0x2  }
0xb8: {  	s3 =	sand.u32 $0x4000, s31;
	s1 =	sadd.s32 s1, s30  }
0xb9: {  	s0 =	sor.u32 s3, s0;
	s1 =	sshll.u32 s1, $0x11  }
0xba: {  	s0 =	sor.u32 s1, s0  }
0xbb: {  	s0 =	sadd.s32 $0x8F2B, s0  }
0xbc: {  	[sflag:s0] =	ssyncadd.remote.s32 $0x1  }
0xbd: {  	_ =	sfence.sel $0xFFFF  }
0xbe: {  	[dreg:$0x0] =	wrdreg $0xFFFFFFFF;
	(pc) =	sbr.abs _section_cstart, $3  }
0xbf: {  	[dreg:$0x1] =	wrdreg $0xFFFFFFFF  }
0xc0: {  	_ =	task.clear_ibuf [dreg:s6], $0x2FFFF;
	_ =	strace $0x9FFFFFFF  }
0xc1: {  	(tm) =	ssettm $0x7FFFFFFF  }
tec
execute0_lowered:
.L_overlay_start_1:
0x0: {  	(tag) =	ssettag $0x1  }
0x1: {  	s1 =	srdreg.scid  }
0x2: {  	s0 =	stileid.u32;
	s9 =	rddreg [dreg:$0x0];
	s6 =	sand.u32 $0x1, s1  }
0x3: {  	s7 =	simm.s32 $0x80;
	s30 =	sshll.u32 s0, $0x7;
	s2 =	sshll.u32 s6, $0x6  }
0x4: {  	s8 =	simm.s32 $0x1;
	s1 =	rddreg [dreg:$0x1];
	s10 =	sor.u32 s2, s30  }
0x5: {  	s5 =	sadd.s32 $0x1800, s9;
	s2 =	simm.s32 $0x0;
	s3 =	sshrl.u32 s10, $0x3  }
0x6: {  	s11 =	ssub.s32 $0x2, s6;
	[smem:$0x7FF] =	sst s2;
	s3 =	sadd.s32 s3, s9  }
0x7: {  	_ =	strace $0x80000047;
	s4 =	sadd.s32 $0x81800, s3;
	s3 =	simm.s32 $0x2  }
0x8: {  	[tilespmem:s2], [sflag:$0x2] =	stream.linear.gather [hbm4b:s4+s2], $0x40, $0x38;
	[tilespmem:$0x2080] =	vst v63  }
0x9: {  	s6 =	simm.s32 $0x40;
	s12 =	sshrl.u32 s11, $0x1;
	_ =	swait.ge [sflag:s3], $0x40  }
0xa: {  	s10 =	sshll.u32 s10, $0x4;
	s31 =	ssub.s32 s11, s12;
	[sflag:s3] =	ssyncset.done $0x0  }
0xb: {  	s9 =	sadd.s32 s10, s9;
	s10 =	smax.u32 s31, $0x1;
	[sflag:s3] =	ssyncadd.s32 $0xFFFFFFC0  }
0xc: {  	[tilespmem:s7], [sflag:$0x1] =	stream.indirect.gather [hbm4b:s5+s6], $0x80, s2, s6, $0xb8;
	[tilespmem:$0x2080] =	vst v63  }
0xd: {  	p0 =	sne.s32 s10, $0x1;
	_ =	swait.ge [sflag:s8], $0x2000  }
.Ltmp0:
0xe: {  	[sflag:s8] =	ssyncset.done $0x0;
	(pc) =	sbr.rel @!p0 .LBB2_2-.Ltmp0, $4  }
0xf: {  	s9 =	sadd.s32 $0x81A00, s9;
	[sflag:s8] =	ssyncadd.s32 $0xFFFFE000  }
0x10: {  	[hbm4b:s9+s2] =	stream.linear.scatter [tilespmem:s7], [sflag:$0x2], $0x2000, $0x38;
	[tilespmem:$0x2080] =	vst v63  }
0x11: {  	_ =	swait.ge [sflag:s3], $0x2000  }
0x12: {  	s10 =	sadd.s32 $0xFFFFFFFF, s10;
	[sflag:s3] =	ssyncset.done $0x0  }
.LBB2_1:
0x13: {  	p0 =	sne.s32 s10, $0x1;
	s10 =	sadd.s32 $0xFFFFFFFF, s10;
	[sflag:s3] =	ssyncadd.s32 $0xFFFFE000  }
0x14: {  	[tilespmem:s2], [sflag:$0x2] =	stream.linear.gather [hbm4b:s4+s2], $0x40, $0x38;
	[tilespmem:$0x2080] =	vst v63  }
0x15: {  	_ =	swait.ge [sflag:s3], $0x40  }
0x16: {  	[sflag:s3] =	ssyncset.done $0x0  }
0x17: {  	[sflag:s3] =	ssyncadd.s32 $0xFFFFFFC0  }
0x18: {  	[tilespmem:s7], [sflag:$0x1] =	stream.indirect.gather [hbm4b:s5+s6], $0x80, s2, s6, $0xb8;
	[tilespmem:$0x2080] =	vst v63  }
0x19: {  	_ =	swait.ge [sflag:s8], $0x2000  }
.Ltmp1:
0x1a: {  	[sflag:s8] =	ssyncset.done $0x0;
	(pc) =	sbr.rel @p0 .LBB2_1-.Ltmp1, $4  }
0x1b: {  	[sflag:s8] =	ssyncadd.s32 $0xFFFFE000  }
0x1c: {  	[hbm4b:s9+s2] =	stream.linear.scatter [tilespmem:s7], [sflag:$0x2], $0x2000, $0x38;
	[tilespmem:$0x2080] =	vst v63  }
0x1d: {  	_ =	swait.ge [sflag:s3], $0x2000  }
0x1e: {  	[sflag:s3] =	ssyncset.done $0x0  }
.LBB2_2:
0x1f: {  	[sflag:s3] =	ssyncadd.s32 $0xFFFFE000  }
0x20: {  	_ =	sfence.sel $0x180000  }
0x21: {  	[bflag:$0x0] =	sbarrier.arrive $0xFFFF  }
0x22: {  	p0 =	sne.s32 s0, $0x0;
	_ =	strace $0x90000047  }
0x23: {  	s0 =	sadd.s32 @!p0 $0x100000, s1;
	[bflag:$0x2] =	sbarrier.arrive $0xFFFF  }
0x24: {  	[sflag:s0] =	ssyncadd.tile.s32 @!p0 $0x1;
	_ =	shalt  }
.Lfunc_end2:
_tile_overlayer_lowered:
.L_overlay_start_2:
0x25: {  	(tag) =	ssettag $0x2  }
0x26: {  	s0 =	rddreg [dreg:$0x0];
	s2 =	stileid.u32  }
0x27: {  	s1 =	rddreg [dreg:$0x1];
	p0 =	sne.s32 s2, $0x0  }
0x28: {  	s3 =	rddreg [dreg:$0x2];
	[bflag:$0x3] =	sbarrier.arrive $0xFFFF;
	s2 =	simm.s32 @!p0 $0x1C02  }
0x29: {  	[timem:s3], [sflag:s2] =	dma.local @!p0 [hbm:s0], s1  }
0x2a: {  	s0 =	simm.s32 @!p0 $0x2  }
0x2b: {  	_ =	swait.ge @!p0 [sflag:s0], s1  }
0x2c: {  	s1 =	ssub.s32 @!p0 $0x0, s1;
	[sflag:s0] =	ssyncset.done @!p0 $0x0  }
0x2d: {  	[sflag:s0] =	ssyncadd.s32 @!p0 s1  }
0x2e: {  	[bflag:$0x3] =	sbarrier.arrive $0xFFFF  }
0x2f: {  	_ =	shalt  }

</sc_bundles>
